<compile_context>
chip_gen: v7x
topology: tpu7x:2x2x1
jax: 0.10.2.dev20260603
libtpu: 0.0.44.dev20260713+nightly
codegen_flags: <defaults>
</compile_context>

<pallas_src>
import functools

import jax
import jax.numpy as jnp
from jax import lax
from jax.experimental import pallas as pl
from jax.experimental.pallas import tpu as pltpu
from jax.experimental.pallas import tpu_sc as plsc

B, S, D = 4, 8192, 2048
L = 16


def _pooler(h_rows, tokens):
    mesh = plsc.VectorSubcoreMesh(core_axis_name="c", subcore_axis_name="s",
                                  num_cores=1, num_subcores=B)

    @functools.partial(
        pl.kernel,
        out_type=jax.ShapeDtypeStruct((B, D), jnp.float32),
        mesh=mesh,
        compiler_params=pltpu.CompilerParams(needs_layout_passes=False,
                                             skip_device_barrier=True),
        scratch_types=[
            pltpu.VMEM((S,), jnp.int32),
        ],
    )
    def k(h_hbm, tok_hbm, out_hbm, row_v):
        sid = lax.axis_index("s")

        @pl.when(sid < B)
        def _():
            b = sid
            pltpu.sync_copy(tok_hbm.at[b], row_v)

            U = 8

            def body(i, acc):
                base = i * (L * U)
                for u in range(U):
                    x = row_v[pl.ds(base + u * L, L)]
                    acc = acc + (x != 0).astype(jnp.int32)
                return acc

            lane_cnt = lax.fori_loop(0, S // (L * U), body,
                                     jnp.zeros((L,), jnp.int32))
            cnt = jnp.sum(lane_cnt)
            idx = cnt - 1
            idx = jnp.where(idx < 0, idx + S, idx)
            pltpu.sync_copy(h_hbm.at[b * S + idx], out_hbm.at[b])

    return k(h_rows, tokens)


def kernel(h, inputs):
    return _pooler(h.reshape(B * S, D), inputs)

# --- scband reference (transcript-rebuilt; emitter-appended) ---
"""Pipeline reference for scband-gptpooler-66932770341416 (READ-ONLY COPY).

The authoritative reference and input builder live on the scoring server;
editing this copy changes nothing except your own understanding.
"""

import jax, jax.numpy as jnp
import numpy as np

PAD_TOKEN_ID = 0

def setup_inputs(seed: int = 0) -> dict:
    key = jax.random.key(seed)
    k1, k2 = jax.random.split(key)
    h = jax.random.normal(k1, (4, 8192, 2048), dtype=jnp.float32)
    inputs = jax.random.randint(k2, (4, 8192), 0, 50000, dtype=jnp.int64 if jax.config.jax_enable_x64 else jnp.int32).astype(jnp.int32)
    return {"h": h, "inputs": inputs}

def reference(h, inputs):
    batch_size = inputs.shape[0]
    sequence_lengths = jnp.sum(inputs != PAD_TOKEN_ID, axis=-1) - 1
    pooled_output = h[jnp.arange(batch_size), sequence_lengths]
    return pooled_output

if __name__ == "__main__":
    import jax
    _d = setup_inputs()
    print(jax.jit(kernel)(*tuple(_d.values())))

</pallas_src>

<mosaic_0001>
#map = affine_map<(d0, d1) -> (0, 0)>
module attributes {stable_mosaic.version = 14 : i64} {
  func.func @k(%arg0: i32, %arg1: i32, %arg2: memref<32768x2048xf32, #tpu.memory_space<hbm>>, %arg3: memref<4x8192xi32, #tpu.memory_space<hbm>>, %arg4: memref<4x2048xf32, #tpu.memory_space<hbm>>, %arg5: memref<8192xi32, #tpu.memory_space<vmem>>) attributes {dimension_semantics = [#tpu.dimension_semantics<core_parallel>, #tpu.dimension_semantics<subcore_parallel>], iteration_bounds = array<i64: 1, 4>, scalar_prefetch = 0 : i64, scratch_operands = 1 : i64, tpu.core_type = #tpu.core_type<sc_vector_subcore>, window_params = [{transform_indices = #map}, {transform_indices = #map}, {transform_indices = #map}]} {
    %lt3A = arith.constant 4 : i32
    %lt3A_0 = arith.cmpi slt, %arg1, %lt3A : i32
    %convert_element_type3A = arith.extui %lt3A_0 : i1 to i32
    %cond3A = arith.constant 0 : i32
    %cond3A_1 = arith.cmpi ne, %convert_element_type3A, %cond3A : i32
    scf.if %cond3A_1 {
      "tpu.region"() ({
        %run_scoped3A = tpu.sem_alloc : memref<!tpu.dma_semaphore, #tpu.memory_space<semaphore_mem>>
        %dma_start3A = arith.constant 0 : i32
        %dma_start3A_17 = tpu.memref_slice %arg3[%arg1, %dma_start3A] : memref<4x8192xi32, #tpu.memory_space<hbm>> -> memref<1x8192xi32, #tpu.memory_space<hbm>>
        %dma_start3A_18 = tpu.memref_squeeze %dma_start3A_17 : memref<1x8192xi32, #tpu.memory_space<hbm>> -> memref<8192xi32, #tpu.memory_space<hbm>>
        %dma_start3A_19 = arith.constant 0 : i32
        %dma_start3A_20 = tpu.memref_slice %arg3[%arg1, %dma_start3A_19] : memref<4x8192xi32, #tpu.memory_space<hbm>> -> memref<1x8192xi32, #tpu.memory_space<hbm>>
        %dma_start3A_21 = tpu.memref_squeeze %dma_start3A_20 : memref<1x8192xi32, #tpu.memory_space<hbm>> -> memref<8192xi32, #tpu.memory_space<hbm>>
        tpu.enqueue_dma source(%dma_start3A_21 : memref<8192xi32, #tpu.memory_space<hbm>>) target(%arg5 : memref<8192xi32, #tpu.memory_space<vmem>>) target_semaphore(%run_scoped3A : memref<!tpu.dma_semaphore, #tpu.memory_space<semaphore_mem>>)
        %dma_wait3A = arith.constant 0 : i32
        %dma_wait3A_22 = tpu.memref_slice %arg3[%arg1, %dma_wait3A] : memref<4x8192xi32, #tpu.memory_space<hbm>> -> memref<1x8192xi32, #tpu.memory_space<hbm>>
        %dma_wait3A_23 = tpu.memref_squeeze %dma_wait3A_22 : memref<1x8192xi32, #tpu.memory_space<hbm>> -> memref<8192xi32, #tpu.memory_space<hbm>>
        %dma_wait3A_24 = arith.constant 0 : i32
        %dma_wait3A_25 = tpu.memref_slice %arg3[%arg1, %dma_wait3A_24] : memref<4x8192xi32, #tpu.memory_space<hbm>> -> memref<1x8192xi32, #tpu.memory_space<hbm>>
        %dma_wait3A_26 = tpu.memref_squeeze %dma_wait3A_25 : memref<1x8192xi32, #tpu.memory_space<hbm>> -> memref<8192xi32, #tpu.memory_space<hbm>>
        tpu.wait_dma2 semaphore(%run_scoped3A : memref<!tpu.dma_semaphore, #tpu.memory_space<semaphore_mem>>) src(%dma_wait3A_26 : memref<8192xi32, #tpu.memory_space<hbm>>) dst(%arg5 : memref<8192xi32, #tpu.memory_space<vmem>>)
        tpu.yield
      }) : () -> ()
      %broadcast_in_dim3A = arith.constant 0 : i32
      %broadcast_in_dim3A_2 = vector.broadcast %broadcast_in_dim3A : i32 to vector<16xi32>
      %scan3A = arith.constant 0 : i32
      %scan3A_3 = arith.constant 64 : i32
      %scan3A_4 = arith.addi %scan3A, %scan3A_3 : i32
      %scan3A_5 = arith.constant 1 : i32
      %scan3A_6 = scf.for %scan3A_17 = %scan3A to %scan3A_4 step %scan3A_5 iter_args(%scan3A_18 = %broadcast_in_dim3A_2) -> (vector<16xi32>)  : i32 {
        %mul3A_19 = arith.constant 128 : i32
        %mul3A_20 = arith.muli %scan3A_17, %mul3A_19 : i32
        %add3A_21 = arith.constant 0 : i32
        %add3A_22 = arith.addi %mul3A_20, %add3A_21 : i32
        %get3A = arith.index_cast %add3A_22 : i32 to index
        %get3A_23 = tpu.vector_load %arg5[%get3A] {strides = array<i32>} : memref<8192xi32, #tpu.memory_space<vmem>>, vector<16xi32>,
        %ne3A = arith.constant 0 : i32
        %ne3A_24 = vector.broadcast %ne3A : i32 to vector<16xi32>
        %ne3A_25 = arith.cmpi ne, %get3A_23, %ne3A_24 : vector<16xi32>
        %convert_element_type3A_26 = arith.extui %ne3A_25 : vector<16xi1> to vector<16xi32>
        %add3A_27 = arith.addi %scan3A_18, %convert_element_type3A_26 : vector<16xi32>
        %add3A_28 = arith.constant 16 : i32
        %add3A_29 = arith.addi %mul3A_20, %add3A_28 : i32
        %get3A_30 = arith.index_cast %add3A_29 : i32 to index
        %get3A_31 = tpu.vector_load %arg5[%get3A_30] {strides = array<i32>} : memref<8192xi32, #tpu.memory_space<vmem>>, vector<16xi32>,
        %ne3A_32 = arith.constant 0 : i32
        %ne3A_33 = vector.broadcast %ne3A_32 : i32 to vector<16xi32>
        %ne3A_34 = arith.cmpi ne, %get3A_31, %ne3A_33 : vector<16xi32>
        %convert_element_type3A_35 = arith.extui %ne3A_34 : vector<16xi1> to vector<16xi32>
        %add3A_36 = arith.addi %add3A_27, %convert_element_type3A_35 : vector<16xi32>
        %add3A_37 = arith.constant 32 : i32
        %add3A_38 = arith.addi %mul3A_20, %add3A_37 : i32
        %get3A_39 = arith.index_cast %add3A_38 : i32 to index
        %get3A_40 = tpu.vector_load %arg5[%get3A_39] {strides = array<i32>} : memref<8192xi32, #tpu.memory_space<vmem>>, vector<16xi32>,
        %ne3A_41 = arith.constant 0 : i32
        %ne3A_42 = vector.broadcast %ne3A_41 : i32 to vector<16xi32>
        %ne3A_43 = arith.cmpi ne, %get3A_40, %ne3A_42 : vector<16xi32>
        %convert_element_type3A_44 = arith.extui %ne3A_43 : vector<16xi1> to vector<16xi32>
        %add3A_45 = arith.addi %add3A_36, %convert_element_type3A_44 : vector<16xi32>
        %add3A_46 = arith.constant 48 : i32
        %add3A_47 = arith.addi %mul3A_20, %add3A_46 : i32
        %get3A_48 = arith.index_cast %add3A_47 : i32 to index
        %get3A_49 = tpu.vector_load %arg5[%get3A_48] {strides = array<i32>} : memref<8192xi32, #tpu.memory_space<vmem>>, vector<16xi32>,
        %ne3A_50 = arith.constant 0 : i32
        %ne3A_51 = vector.broadcast %ne3A_50 : i32 to vector<16xi32>
        %ne3A_52 = arith.cmpi ne, %get3A_49, %ne3A_51 : vector<16xi32>
        %convert_element_type3A_53 = arith.extui %ne3A_52 : vector<16xi1> to vector<16xi32>
        %add3A_54 = arith.addi %add3A_45, %convert_element_type3A_53 : vector<16xi32>
        %add3A_55 = arith.constant 64 : i32
        %add3A_56 = arith.addi %mul3A_20, %add3A_55 : i32
        %get3A_57 = arith.index_cast %add3A_56 : i32 to index
        %get3A_58 = tpu.vector_load %arg5[%get3A_57] {strides = array<i32>} : memref<8192xi32, #tpu.memory_space<vmem>>, vector<16xi32>,
        %ne3A_59 = arith.constant 0 : i32
        %ne3A_60 = vector.broadcast %ne3A_59 : i32 to vector<16xi32>
        %ne3A_61 = arith.cmpi ne, %get3A_58, %ne3A_60 : vector<16xi32>
        %convert_element_type3A_62 = arith.extui %ne3A_61 : vector<16xi1> to vector<16xi32>
        %add3A_63 = arith.addi %add3A_54, %convert_element_type3A_62 : vector<16xi32>
        %add3A_64 = arith.constant 80 : i32
        %add3A_65 = arith.addi %mul3A_20, %add3A_64 : i32
        %get3A_66 = arith.index_cast %add3A_65 : i32 to index
        %get3A_67 = tpu.vector_load %arg5[%get3A_66] {strides = array<i32>} : memref<8192xi32, #tpu.memory_space<vmem>>, vector<16xi32>,
        %ne3A_68 = arith.constant 0 : i32
        %ne3A_69 = vector.broadcast %ne3A_68 : i32 to vector<16xi32>
        %ne3A_70 = arith.cmpi ne, %get3A_67, %ne3A_69 : vector<16xi32>
        %convert_element_type3A_71 = arith.extui %ne3A_70 : vector<16xi1> to vector<16xi32>
        %add3A_72 = arith.addi %add3A_63, %convert_element_type3A_71 : vector<16xi32>
        %add3A_73 = arith.constant 96 : i32
        %add3A_74 = arith.addi %mul3A_20, %add3A_73 : i32
        %get3A_75 = arith.index_cast %add3A_74 : i32 to index
        %get3A_76 = tpu.vector_load %arg5[%get3A_75] {strides = array<i32>} : memref<8192xi32, #tpu.memory_space<vmem>>, vector<16xi32>,
        %ne3A_77 = arith.constant 0 : i32
        %ne3A_78 = vector.broadcast %ne3A_77 : i32 to vector<16xi32>
        %ne3A_79 = arith.cmpi ne, %get3A_76, %ne3A_78 : vector<16xi32>
        %convert_element_type3A_80 = arith.extui %ne3A_79 : vector<16xi1> to vector<16xi32>
        %add3A_81 = arith.addi %add3A_72, %convert_element_type3A_80 : vector<16xi32>
        %add3A_82 = arith.constant 112 : i32
        %add3A_83 = arith.addi %mul3A_20, %add3A_82 : i32
        %get3A_84 = arith.index_cast %add3A_83 : i32 to index
        %get3A_85 = tpu.vector_load %arg5[%get3A_84] {strides = array<i32>} : memref<8192xi32, #tpu.memory_space<vmem>>, vector<16xi32>,
        %ne3A_86 = arith.constant 0 : i32
        %ne3A_87 = vector.broadcast %ne3A_86 : i32 to vector<16xi32>
        %ne3A_88 = arith.cmpi ne, %get3A_85, %ne3A_87 : vector<16xi32>
        %convert_element_type3A_89 = arith.extui %ne3A_88 : vector<16xi1> to vector<16xi32>
        %add3A_90 = arith.addi %add3A_81, %convert_element_type3A_89 : vector<16xi32>
        scf.yield %add3A_90 : vector<16xi32>
      }
      %scan3A_7 = arith.constant 64 : i32
      %reduce_sum3A = arith.constant true
      %reduce_sum3A_8 = vector.broadcast %reduce_sum3A : i1 to vector<16xi1>
      %reduce_sum3A_9 = tpu.scan <sum>, %scan3A_6 masked %reduce_sum3A_8 : vector<16xi32>, vector<16xi1> -> vector<16xi32>
      %reduce_sum3A_10 = vector.extract %reduce_sum3A_9[15] : i32 from vector<16xi32>
      %sub3A = arith.constant 1 : i32
      %sub3A_11 = arith.subi %reduce_sum3A_10, %sub3A : i32
      %lt3A_12 = arith.constant 0 : i32
      %lt3A_13 = arith.cmpi slt, %sub3A_11, %lt3A_12 : i32
      %add3A = arith.constant 8192 : i32
      %add3A_14 = arith.addi %sub3A_11, %add3A : i32
      %select_n3A = arith.select %lt3A_13, %add3A_14, %sub3A_11 : i32
      %mul3A = arith.constant 8192 : i32
      %mul3A_15 = arith.muli %arg1, %mul3A : i32
      %add3A_16 = arith.addi %mul3A_15, %select_n3A : i32
      "tpu.region"() ({
        %run_scoped3A = tpu.sem_alloc : memref<!tpu.dma_semaphore, #tpu.memory_space<semaphore_mem>>
        %dma_start3A = arith.constant 0 : i32
        %dma_start3A_17 = tpu.memref_slice %arg4[%arg1, %dma_start3A] : memref<4x2048xf32, #tpu.memory_space<hbm>> -> memref<1x2048xf32, #tpu.memory_space<hbm>>
        %dma_start3A_18 = tpu.memref_squeeze %dma_start3A_17 : memref<1x2048xf32, #tpu.memory_space<hbm>> -> memref<2048xf32, #tpu.memory_space<hbm>>
        %dma_start3A_19 = arith.constant 0 : i32
        %dma_start3A_20 = tpu.memref_slice %arg2[%add3A_16, %dma_start3A_19] : memref<32768x2048xf32, #tpu.memory_space<hbm>> -> memref<1x2048xf32, #tpu.memory_space<hbm>>
        %dma_start3A_21 = tpu.memref_squeeze %dma_start3A_20 : memref<1x2048xf32, #tpu.memory_space<hbm>> -> memref<2048xf32, #tpu.memory_space<hbm>>
        tpu.enqueue_dma source(%dma_start3A_21 : memref<2048xf32, #tpu.memory_space<hbm>>) target(%dma_start3A_18 : memref<2048xf32, #tpu.memory_space<hbm>>) target_semaphore(%run_scoped3A : memref<!tpu.dma_semaphore, #tpu.memory_space<semaphore_mem>>)
        %dma_wait3A = arith.constant 0 : i32
        %dma_wait3A_22 = tpu.memref_slice %arg4[%arg1, %dma_wait3A] : memref<4x2048xf32, #tpu.memory_space<hbm>> -> memref<1x2048xf32, #tpu.memory_space<hbm>>
        %dma_wait3A_23 = tpu.memref_squeeze %dma_wait3A_22 : memref<1x2048xf32, #tpu.memory_space<hbm>> -> memref<2048xf32, #tpu.memory_space<hbm>>
        %dma_wait3A_24 = arith.constant 0 : i32
        %dma_wait3A_25 = tpu.memref_slice %arg2[%add3A_16, %dma_wait3A_24] : memref<32768x2048xf32, #tpu.memory_space<hbm>> -> memref<1x2048xf32, #tpu.memory_space<hbm>>
        %dma_wait3A_26 = tpu.memref_squeeze %dma_wait3A_25 : memref<1x2048xf32, #tpu.memory_space<hbm>> -> memref<2048xf32, #tpu.memory_space<hbm>>
        tpu.wait_dma2 semaphore(%run_scoped3A : memref<!tpu.dma_semaphore, #tpu.memory_space<semaphore_mem>>) src(%dma_wait3A_26 : memref<2048xf32, #tpu.memory_space<hbm>>) dst(%dma_wait3A_23 : memref<2048xf32, #tpu.memory_space<hbm>>)
        tpu.yield
      }) : () -> ()
    } else {
    }
    return
  }
}

</mosaic_0001>

<sc_bundles>
// kernel: kernel.3.cloned.1.call-start
scs
__scs_entry_jumppad:
0x0: {  	(pc) =	sbr.rel $0x88, $3  }
0x1: {  	(tag) =	ssettag $0x0;
	lr =	simm.s32 $0x1  }
0x2: {  	[smem:$0x3F9F] =	sst lr;
	_ =	strace $0xD0000000  }
0x3: {  	_ = 	snop  }
0x4: {  	_ = 	snop  }
0x5: {  	_ = 	snop  }
0x6: {  	_ = 	snop  }
0x7: {  	_ = 	snop  }
__scs_overlays_trampoline_lowered:
0x8: {  	[smem:$0x3FAE] =	sst s0  }
0x9: {  	[smem:$0x3FAF] =	sst s1  }
0xa: {  	[smem:$0x3FB0] =	sst s2  }
0xb: {  	[smem:$0x3FB1] =	sst s3  }
0xc: {  	[smem:$0x3FB2] =	sst s4  }
0xd: {  	[smem:$0x3FB3] =	sst s5  }
0xe: {  	[smem:$0x3FB4] =	sst s6  }
0xf: {  	[smem:$0x3FB5] =	sst s7  }
0x10: {  	[smem:$0x3FB6] =	sst s8  }
0x11: {  	[smem:$0x3FB7] =	sst s9;
	s0 =	simm.s32 @!p0 $0x0  }
0x12: {  	s1 =	sld [smem:$0x3F9D];
	s0 =	simm.s32 @p0 $0x1  }
0x13: {  	[smem:$0x3FB8] =	sst s0;
	s0 =	simm.s32 @!p1 $0x0  }
0x14: {  	s2 =	sld [smem:$0x3F9C];
	s0 =	simm.s32 @p1 $0x1  }
0x15: {  	[smem:$0x3FB9] =	sst s0;
	s0 =	simm.s32 @!p2 $0x0  }
0x16: {  	s3 =	sld [smem:$0x3FDB];
	s0 =	simm.s32 @p2 $0x1  }
0x17: {  	s4 =	simm.s32 $0x1BF5;
	[smem:$0x3FBB] =	sst s0  }
0x18: {  	s0 =	sld [smem:$0x3F9E];
	_ =	swait.ge [sflag:s4], $0x0  }
0x19: {  	s7 =	sld [smem:$0x3F9F]  }
0x1a: {  	s8 =	sadd.s32 $0xFFFFE003, lr  }
0x1b: {  	s9 =	sadd.s32 $0xFFFFFEF7, lr;
	s5 =	simm.s32 $0xFFFFFFFF;
	p2 =	slt.u32 s8, $0xFFFFF086  }
0x1c: {  	p1 =	slt.u32 s9, $0xF7A;
	s5 =	simm.s32 @!p2 $0x0  }
0x1d: {  	s5 =	simm.s32 @p1 $0x1;
	p0 =	seq.s32 s7, s2  }
0x1e: {  	s7 =	smul.u32 @!p0 $0xF7A, s2;
	p2 =	seq.s32 @!p0 s5, $0x0  }
0x1f: {  	s9 =	smul.u32 $0xF7A, s1;
	s8 =	simm.s32 @!p0 $0x1BF5;
	p2 =	por !p2, p0  }
0x20: {  	[sflag:s8] =	ssyncset.s32 @!p0 $0xFFFFF086;
	s6 =	sadd.s32 @!p0 s3, s7;
	s7 =	simm.s32 @!p0 $0x108  }
0x21: {  	s3 =	sadd.s32 s3, s9;
	s6 =	sadd.s32 @!p0 $0x88, s6;
	s7 =	simm.s32 @p2 $0x1082  }
0x22: {  	[simem:s7], [sflag:s8] =	dma.local @!p0 [hbm:s6], $0xF7A  }
0x23: {  	s9 =	sor.u32 $0xD0000000, s2;
	s6 =	simm.s32 $0x108;
	_ =	swait.ge @!p0 [sflag:s8], $0x0  }
0x24: {  	s3 =	sadd.s32 $0x88, s3;
	s6 =	simm.s32 @!p1 $0x1082;
	[sflag:s4] =	ssyncset.s32 $0xFFFFF086  }
0x25: {  	[simem:s6], [sflag:s4] =	dma.local [hbm:s3], $0xF7A  }
0x26: {  	[smem:$0x3F9F] =	sst s1;
	(tag) =	ssettag s2;
	_ =	strace s9  }
0x27: {  	s1 =	sld [smem:$0x3FAF]  }
0x28: {  	s2 =	sld [smem:$0x3FB0]  }
0x29: {  	s4 =	sld [smem:$0x3FB2]  }
0x2a: {  	p0 =	seq.s32 s5, $0x0;
	s5 =	sld [smem:$0x3FB3]  }
0x2b: {  	s6 =	sld [smem:$0x3FB4]  }
0x2c: {  	s7 =	sld [smem:$0x3FB5]  }
0x2d: {  	s3 =	simm.s32 $0x108;
	s8 =	sld [smem:$0x3FB6]  }
0x2e: {  	s3 =	simm.s32 @!p0 $0x1082;
	s9 =	sld [smem:$0x3FB7]  }
0x2f: {  	lr =	sadd.s32 s0, s3;
	s0 =	sld [smem:$0x3FAE]  }
0x30: {  	s3 =	sld [smem:$0x3FB1]  }
0x31: {  	[smem:$0x3FBA] =	sst s10  }
0x32: {  	s10 =	sld [smem:$0x3FB8];
	_ =	sdelay $0x3  }
0x33: {  	p0 =	seq.s32 s10, $0x1;
	s10 =	sld [smem:$0x3FBA];
	_ =	sdelay $0x3  }
0x34: {  	[smem:$0x3FBA] =	sst s10  }
0x35: {  	s10 =	sld [smem:$0x3FB9];
	_ =	sdelay $0x3  }
0x36: {  	p1 =	seq.s32 s10, $0x1;
	s10 =	sld [smem:$0x3FBA];
	_ =	sdelay $0x3  }
0x37: {  	[smem:$0x3FBA] =	sst s10  }
0x38: {  	s10 =	sld [smem:$0x3FBB]  }
0x39: {  	_ = 	snop;
	(pc) =	sbr.ind lr, $3  }
0x3a: {  	_ = 	snop  }
0x3b: {  	_ = 	snop  }
0x3c: {  	p2 =	seq.s32 s10, $0x1;
	s10 =	sld [smem:$0x3FBA]  }
0x3d: {  	_ =	shalt  }
0x3e: {  	_ =	shalt  }
0x3f: {  	_ =	shalt  }
0x40: {  	_ =	shalt  }
0x41: {  	_ =	shalt  }
0x42: {  	_ =	shalt  }
0x43: {  	_ =	shalt  }
0x44: {  	_ =	shalt  }
0x45: {  	_ =	shalt  }
0x46: {  	_ =	shalt  }
0x47: {  	_ =	shalt  }
0x48: {  	_ =	shalt  }
0x49: {  	_ =	shalt  }
0x4a: {  	_ =	shalt  }
0x4b: {  	_ =	shalt  }
0x4c: {  	_ =	shalt  }
0x4d: {  	_ =	shalt  }
0x4e: {  	_ =	shalt  }
0x4f: {  	_ =	shalt  }
0x50: {  	_ =	shalt  }
0x51: {  	_ =	shalt  }
0x52: {  	_ =	shalt  }
0x53: {  	_ =	shalt  }
0x54: {  	_ =	shalt  }
0x55: {  	_ =	shalt  }
0x56: {  	_ =	shalt  }
0x57: {  	_ =	shalt  }
0x58: {  	_ =	shalt  }
0x59: {  	_ =	shalt  }
0x5a: {  	_ =	shalt  }
0x5b: {  	_ =	shalt  }
0x5c: {  	_ =	shalt  }
0x5d: {  	_ =	shalt  }
0x5e: {  	_ =	shalt  }
0x5f: {  	_ =	shalt  }
0x60: {  	_ =	shalt  }
0x61: {  	_ =	shalt  }
0x62: {  	_ =	shalt  }
0x63: {  	_ =	shalt  }
0x64: {  	_ =	shalt  }
0x65: {  	_ =	shalt  }
0x66: {  	_ =	shalt  }
0x67: {  	_ =	shalt  }
0x68: {  	_ =	shalt  }
0x69: {  	_ =	shalt  }
0x6a: {  	_ =	shalt  }
0x6b: {  	_ =	shalt  }
0x6c: {  	_ =	shalt  }
0x6d: {  	_ =	shalt  }
0x6e: {  	_ =	shalt  }
0x6f: {  	_ =	shalt  }
0x70: {  	_ =	shalt  }
0x71: {  	_ =	shalt  }
0x72: {  	_ =	shalt  }
0x73: {  	_ =	shalt  }
0x74: {  	_ =	shalt  }
0x75: {  	_ =	shalt  }
0x76: {  	_ =	shalt  }
0x77: {  	_ =	shalt  }
0x78: {  	_ =	shalt  }
0x79: {  	_ =	shalt  }
0x7a: {  	_ =	shalt  }
0x7b: {  	_ =	shalt  }
0x7c: {  	_ =	shalt  }
0x7d: {  	_ =	shalt  }
0x7e: {  	_ =	shalt  }
0x7f: {  	_ =	shalt  }
0x80: {  	_ =	shalt  }
0x81: {  	_ =	shalt  }
0x82: {  	_ =	shalt  }
0x83: {  	_ =	shalt  }
0x84: {  	_ =	shalt  }
0x85: {  	_ =	shalt  }
0x86: {  	_ =	shalt  }
0x87: {  	_ =	shalt  }
.Lfunc_end0:
.L_simem_size_0:
called_computation_lowered:
.L_overlay_start_0:
0x88: {  	s0 =	sld [smem:$0x3FD9]  }
0x89: {  	s1 =	sld [smem:$0x3FFE];
	_ =	sdelay $0x3  }
0x8a: {  	s0 =	sadd.s32 s1, s0  }
0x8b: {  	[smem:$0x3FC6] =	sst s0  }
0x8c: {  	_ = 	snop  }
0x8d: {  	s0 =	sld [smem:$0x3FC9]  }
0x8e: {  	s17 =	sld [smem:$0x3FC8]  }
0x8f: {  	s2 =	sld [smem:$0x3FD0];
	(tm) =	ssettm $0x1  }
0x90: {  	s3 =	sld [smem:$0x3FFB];
	_ =	sdelay $0x3  }
0x91: {  	_ =	strace s3  }
0x92: {  	s3 =	sld [smem:$0x3FFC];
	_ =	sdelay $0x3  }
0x93: {  	_ =	strace s3  }
0x94: {  	s3 =	sld [smem:$0x3FFD];
	_ =	sdelay $0x3  }
0x95: {  	_ =	strace s3  }
0x96: {  	_ =	strace $0x8FFFFFFF  }
0x97: {  	s18 =	sld [smem:$0x3FDB];
	_ =	sdelay $0x1  }
0x98: {  	s4 =	simm.s32 $_scs_section_size  }
0x99: {  	s5 =	simm.s32 $_size__tile_overlayer_lowered;
	s6 =	simm.s32 $_tile_overlayer_lowered  }
0x9a: {  	s21 =	simm.s32 $0x1BFF;
	s20 =	sshll.u32 s6, $0x1;
	s3 =	sadd.s32 s4, s18  }
0x9b: {  	s7 =	simm.s32 $0x0;
	s19 =	sshll.u32 s5, $0x1;
	s5 =	sadd.s32 s20, s3  }
0x9c: {  	[timem:s7], [sflag:s21] =	dma.local [hbm:s5], s19  }
0x9d: {  	_ =	swait.ge [sflag:s21], s19  }
0x9e: {  	s4 =	ssub.s32 $0x0, s19;
	[sflag:s21] =	ssyncset.done $0x0  }
0x9f: {  	[sflag:s21] =	ssyncadd.s32 s4;
	_ =	sdelay $0x1  }
0xa0: {  	s22 =	simm.s32 $0x1B8B  }
0xa1: {  	_ =	swait.ge [sflag:s22], $0x1  }
0xa2: {  	[sflag:s22] =	ssyncset.done $0x0  }
0xa3: {  	s23 =	simm.s32 $0x1B8E;
	[sflag:s22] =	ssyncadd.s32 $0xFFFFFFFF  }
0xa4: {  	s24 =	simm.s32 $execute0_lowered;
	[smem:$0x3FD2] =	sst s23  }
0xa5: {  	s4 =	sshll.u32 s24, $0x1;
	_ =	strace $0x80000046;
	[dreg:$0x1] =	wrdreg $0xFFFFFFFF  }
0xa6: {  	s25 =	simm.s32 $_size_execute0_lowered;
	s3 =	sadd.s32 s3, s4;
	[dreg:$0x0] =	wrdreg $0x0  }
0xa7: {  	s4 =	sshll.u32 s25, $0x1;
	[dreg:$0x2] =	wrdreg s3  }
0xa8: {  	[dreg:$0x3] =	wrdreg s4  }
0xa9: {  	[dreg:$0x4] =	wrdreg $0xC0  }
0xaa: {  	_ =	task [dreg:s7], $0x5FFFF  }
0xab: {  	[dreg:$0x1] =	wrdreg $0xFFFFFFFF  }
0xac: {  	[dreg:$0x0] =	wrdreg $0x60  }
0xad: {  	[dreg:$0x2] =	wrdreg s0  }
0xae: {  	[dreg:$0x3] =	wrdreg s17  }
0xaf: {  	[dreg:$0x4] =	wrdreg s2  }
0xb0: {  	[dreg:$0x5] =	wrdreg $0x9  }
0xb1: {  	_ =	task.clear_ibuf [dreg:s7], $0x6FFFF;
	_ =	strace $0x90000046  }
0xb2: {  	s26 =	simm.s32 $0x9;
	_ =	strace $0x80000048  }
0xb3: {  	_ =	swait.ge [sflag:s26], $0x1  }
0xb4: {  	[sflag:s26] =	ssyncadd.s32 $0xFFFFFFFF  }
0xb5: {  	_ =	strace $0x90000048  }
0xb6: {  	_ =	sfence  }
0xb7: {  	s28 =	sld [smem:$0x0];
	_ =	sdelay $0x1  }
0xb8: {  	s29 =	srdreg.scid  }
0xb9: {  	s30 =	sshll.u32 s29, $0xD;
	s31 =	sshrl.u32 s29, $0x2  }
0xba: {  	s1 =	sand.u32 $0x1, s29;
	s2 =	sand.u32 $0x4000, s30;
	s0 =	sadd.s32 s31, s28  }
0xbb: {  	s1 =	sor.u32 s2, s1;
	s0 =	sshll.u32 s0, $0x11  }
0xbc: {  	s0 =	sor.u32 s0, s1  }
0xbd: {  	s0 =	sadd.s32 $0x8F2B, s0  }
0xbe: {  	[sflag:s0] =	ssyncadd.remote.s32 $0x1  }
0xbf: {  	_ =	sfence.sel $0xFFFF  }
0xc0: {  	[dreg:$0x0] =	wrdreg $0xFFFFFFFF;
	(pc) =	sbr.abs _section_cstart, $3  }
0xc1: {  	[dreg:$0x1] =	wrdreg $0xFFFFFFFF  }
0xc2: {  	_ =	task.clear_ibuf [dreg:s7], $0x2FFFF;
	_ =	strace $0x9FFFFFFF  }
0xc3: {  	(tm) =	ssettm $0x7FFFFFFF  }
tec
execute0_lowered:
.L_overlay_start_1:
0x0: {  	(tag) =	ssettag $0x1  }
0x1: {  	s1 =	stileid.u32  }
0x2: {  	p0 =	sgt.u32 s1, $0x3  }
.Ltmp0:
0x3: {  	s2 =	rddreg [dreg:$0x0];
	(pc) =	sbr.rel @p0 .LBB2_4-.Ltmp0, $4  }
0x4: {  	s4 =	rddreg [dreg:$0x1]  }
0x5: {  	s3 =	rddreg [dreg:$0x2];
	s5 =	simm.s32 $0x0  }
0x6: {  	[smem:$0x7FF] =	sst s5  }
0x7: {  	s0 =	rddreg [dreg:$0x3];
	_ =	strace $0x80000047  }
0x8: {  	s6 =	sshll.u32 s1, $0x4;
	s7 =	simm.s32 $0x80  }
0x9: {  	s8 =	simm.s32 $0x200;
	s30 =	simm.s32 $0x1;
	s4 =	sadd.s32 s4, s6  }
0xa: {  	[tilespmem:s5], [sflag:$0x1] =	stream.strided.gather [hbm4b:s4+s7], $0x2000, s8, s7, $0x38;
	[tilespmem:$0x2000] =	vst v63  }
0xb: {  	_ =	swait.ge [sflag:s30], $0x2000  }
0xc: {  	[sflag:s30] =	ssyncset.done $0x0  }
0xd: {  	s31 =	simm.s32 $0x0;
	[sflag:s30] =	ssyncadd.s32 $0xFFFFE000  }
0xe: {  	v2 =	vld [tilespmem:s31+$0x0]  }
0xf: {  	v3 =	vld [tilespmem:s31+$0x10]  }
0x10: {  	v5 =	vld [tilespmem:s31+$0x20]  }
0x11: {  	v4 =	vld [tilespmem:s31+$0x30]  }
0x12: {  	v1 =	vld [tilespmem:s31+$0x40]  }
0x13: {  	v0 =	vimm.s32 $0x0;
	vm0 =	vne.s32 v2, $0x0;
	v2 =	vld [tilespmem:s31+$0x50]  }
0x14: {  	s3 =	sadd.s32 s3, s6;
	v6 =	vsel vm0, $0x1, v0;
	vm0 =	vne.s32 v3, $0x0;
	v3 =	vld [tilespmem:s31+$0x60]  }
0x15: {  	s6 =	simm.s32 $0x400;
	s4 =	sshll.u32 s1, $0x18;
	s5 =	simm.s32 $0x80;
	v6 =	vadd.s32 v6, v0;
	v7 =	vsel vm0, $0x1, v0;
	vm0 =	vne.s32 v5, $0x0;
	v5 =	vld [tilespmem:s31+$0x70]  }
.LBB2_2:
0x16: {  	p0 =	sne.s32 s6, $0x7E00;
	v8 =	vld [tilespmem:s5+$0x0];
	v6 =	vadd.s32 v7, v6;
	v7 =	vsel vm0, $0x1, v0;
	vm0 =	vne.s32 v4, $0x0  }
0x17: {  	v9 =	vld [tilespmem:s5+$0x10];
	v4 =	vadd.s32 v7, v6;
	v6 =	vsel vm0, $0x1, v0;
	vm0 =	vne.s32 v1, $0x0  }
0x18: {  	v10 =	vld [tilespmem:s5+$0x20];
	v1 =	vadd.s32 v6, v4;
	v6 =	vsel vm0, $0x1, v0;
	vm0 =	vne.s32 v2, $0x0  }
.Ltmp1:
0x19: {  	v4 =	vld [tilespmem:s5+$0x30];
	v2 =	vadd.s32 v6, v1;
	v6 =	vsel vm0, $0x1, v0;
	vm0 =	vne.s32 v3, $0x0;
	(pc) =	sbr.rel @p0 .LBB2_2-.Ltmp1, $4  }
0x1a: {  	v1 =	vld [tilespmem:s5+$0x40];
	v3 =	vadd.s32 v6, v2;
	v6 =	vsel vm0, $0x1, v0;
	vm0 =	vne.s32 v5, $0x0  }
0x1b: {  	vm1 =	vne.s32 v8, $0x0;
	v2 =	vld [tilespmem:s5+$0x50];
	v5 =	vadd.s32 v6, v3;
	v6 =	vsel vm0, $0x1, v0  }
0x1c: {  	v7 =	vsel vm1, $0x1, v0;
	vm0 =	vne.s32 v9, $0x0;
	v3 =	vld [tilespmem:s5+$0x60];
	v5 =	vadd.s32 v6, v5  }
0x1d: {  	v6 =	vadd.s32 v7, v5;
	v7 =	vsel vm0, $0x1, v0;
	vm0 =	vne.s32 v10, $0x0;
	v5 =	vld [tilespmem:s5+$0x70];
	s5 =	sshra.s32 s6, $0x2;
	s6 =	sadd.s32 $0x200, s6  }
0x1e: {  	v8 =	vld [tilespmem:s5+$0x0];
	v6 =	vadd.s32 v7, v6;
	v43 =	vsel vm0, $0x1, v0;
	vm4 =	vne.s32 v4, $0x0  }
0x1f: {  	v44 =	vld [tilespmem:s5+$0x10];
	v6 =	vadd.s32 v43, v6;
	v45 =	vsel vm4, $0x1, v0;
	vm5 =	vne.s32 v1, $0x0  }
0x20: {  	v46 =	vld [tilespmem:s5+$0x20];
	v6 =	vadd.s32 v45, v6;
	v47 =	vsel vm5, $0x1, v0;
	vm6 =	vne.s32 v2, $0x0  }
0x21: {  	v48 =	vld [tilespmem:s5+$0x30];
	v6 =	vadd.s32 v47, v6;
	v49 =	vsel vm6, $0x1, v0;
	vm7 =	vne.s32 v3, $0x0  }
0x22: {  	v50 =	vld [tilespmem:s5+$0x40];
	v6 =	vadd.s32 v49, v6;
	v51 =	vsel vm7, $0x1, v0;
	vm8 =	vne.s32 v5, $0x0  }
0x23: {  	v52 =	vld [tilespmem:s5+$0x50];
	vm1 =	vne.s32 v8, $0x0;
	v6 =	vadd.s32 v51, v6;
	v53 =	vsel vm8, $0x1, v0  }
0x24: {  	v54 =	vld [tilespmem:s5+$0x60];
	vm9 =	vne.s32 v44, $0x0;
	v8 =	vsel vm1, $0x1, v0;
	v6 =	vadd.s32 v53, v6  }
0x25: {  	v56 =	vld [tilespmem:s5+$0x70];
	vm10 =	vne.s32 v46, $0x0;
	v55 =	vsel vm9, $0x1, v0;
	v6 =	vadd.s32 v8, v6  }
0x26: {  	vm11 =	vne.s32 v48, $0x0;
	v57 =	vsel vm10, $0x1, v0;
	v6 =	vadd.s32 v55, v6  }
0x27: {  	vm12 =	vne.s32 v50, $0x0;
	v59 =	vsel vm11, $0x1, v0;
	v58 =	vadd.s32 v57, v6  }
0x28: {  	vm13 =	vne.s32 v52, $0x0;
	v3 =	vsel vm12, $0x1, v0;
	v2 =	vadd.s32 v59, v58  }
0x29: {  	vm14 =	vne.s32 v54, $0x0;
	v60 =	vsel vm13, $0x1, v0;
	v2 =	vadd.s32 v3, v2  }
0x2a: {  	vm15 =	vne.s32 v56, $0x0;
	v61 =	vsel vm14, $0x1, v0;
	v2 =	vadd.s32 v60, v2  }
0x2b: {  	v63 =	vsel vm15, $0x1, v0;
	v62 =	vadd.s32 v61, v2  }
0x2c: {  	v0 =	vadd.s32 v63, v62  }
0x2d: {  	(xrf0) =	vadd.scan.msk.s32 $0xffff, v0;
	_ =	sdelay $0x5  }
0x2e: {  	v0, _, _ =	vpop (xrf0)  }
0x2f: {  	(v2sf) =	vpush v0, $0xF;
	_ =	sdelay $0xe  }
0x30: {  	s25 =	spop (v2sf)  }
0x31: {  	s6 =	sadd.s32 $0xFFFFFFFF, s25  }
0x32: {  	s5 =	sadd.s32 $0x1FFF, s25;
	p0 =	slt.s32 s6, $0x0  }
0x33: {  	s6 =	smov.u32 @p0 s5  }
0x34: {  	s5 =	sshll.u32 s6, $0xB  }
0x35: {  	s26 =	sshll.u32 s6, $0x7;
	s4 =	sadd.s32 s4, s5  }
0x36: {  	s5 =	sand.u32 $0x380, s26;
	s4 =	sand.u32 $0xFFFFC000, s4  }
0x37: {  	s28 =	sshll.u32 s1, $0x6;
	s4 =	sor.u32 s5, s4  }
0x38: {  	s30 =	simm.s32 $0x1;
	s31 =	simm.s32 $0x40;
	s4 =	sshrl.u32 s4, $0x3  }
0x39: {  	s7 =	simm.s32 $0x80;
	s29 =	sor.u32 $0x1C01, s28;
	s2 =	sadd.s32 s2, s4  }
0x3a: {  	[hbm:s3@s31], [sflag:s29] =	dma.strided [hbm:s2@s7], $0x100, s30, $0x10   }
0x3b: {  	_ =	swait.ge [sflag:s30], $0x100  }
0x3c: {  	[sflag:s30] =	ssyncset.done $0x0  }
0x3d: {  	[sflag:s30] =	ssyncadd.s32 $0xFFFFFF00  }
.LBB2_4:
0x3e: {  	_ =	sfence.sel $0x180000  }
0x3f: {  	[bflag:$0x0] =	sbarrier.arrive $0xFFFF  }
0x40: {  	p0 =	sne.s32 s1, $0x0;
	_ =	strace $0x90000047  }
0x41: {  	s0 =	sadd.s32 @!p0 $0x100000, s0;
	[bflag:$0x2] =	sbarrier.arrive $0xFFFF  }
0x42: {  	[sflag:s0] =	ssyncadd.tile.s32 @!p0 $0x1;
	_ =	shalt  }
.Lfunc_end2:
_tile_overlayer_lowered:
.L_overlay_start_2:
0x43: {  	(tag) =	ssettag $0x2  }
0x44: {  	s0 =	rddreg [dreg:$0x0];
	s2 =	stileid.u32  }
0x45: {  	s1 =	rddreg [dreg:$0x1];
	p0 =	sne.s32 s2, $0x0  }
0x46: {  	s3 =	rddreg [dreg:$0x2];
	[bflag:$0x3] =	sbarrier.arrive $0xFFFF;
	s2 =	simm.s32 @!p0 $0x1C01  }
0x47: {  	[timem:s3], [sflag:s2] =	dma.local @!p0 [hbm:s0], s1  }
0x48: {  	s0 =	simm.s32 @!p0 $0x1  }
0x49: {  	_ =	swait.ge @!p0 [sflag:s0], s1  }
0x4a: {  	s1 =	ssub.s32 @!p0 $0x0, s1;
	[sflag:s0] =	ssyncset.done @!p0 $0x0  }
0x4b: {  	[sflag:s0] =	ssyncadd.s32 @!p0 s1  }
0x4c: {  	[bflag:$0x3] =	sbarrier.arrive $0xFFFF  }
0x4d: {  	_ =	shalt  }

</sc_bundles>
